<compile_context>
chip_gen: v7x
topology: tpu7x:2x2x1
jax: 0.10.2.dev20260603
libtpu: 0.0.44.dev20260713+nightly
codegen_flags: <defaults>
</compile_context>

<pallas_src>
import functools

import jax
import jax.numpy as jnp
from jax import lax
from jax.experimental import pallas as pl
from jax.experimental.pallas import tpu as pltpu
from jax.experimental.pallas import tpu_sc as plsc

K = 1024
DM = 64
NTOK = 32768
TILE = 1024
NT = NTOK // TILE
LOSS_SCALE = 0.25 / (NTOK * DM)
DP = 128


def _vq_body(x_ref, eTm2_ref, esq_ref, cs_ref,
             idx_ref, counts_ref, stats_ref):
    pid = pl.program_id(0)
    x = x_ref[...]

    xsq = jnp.sum(x * x, axis=1, keepdims=True)
    mm2 = jnp.dot(x, eTm2_ref[...], preferred_element_type=jnp.float32)
    d2 = (xsq + mm2) + esq_ref[...]
    dist = jnp.sqrt(jnp.maximum(d2, 0.0))
    dmin = jnp.min(dist, axis=1, keepdims=True)
    kiota = jax.lax.broadcasted_iota(jnp.int32, (TILE, K), 1)
    idxv = jnp.min(jnp.where(dist == dmin, kiota, K), axis=1)
    idxv = idxv.astype(jnp.int32).reshape(TILE, 1)
    idx_ref[...] = idxv
    onehot = (kiota == idxv).astype(jnp.float32)
    ones_row = jnp.ones((1, TILE), jnp.float32)
    counts_add = jnp.dot(ones_row, onehot,
                         preferred_element_type=jnp.float32)
    loss_t = jnp.sum(dmin * dmin)
    lane = jax.lax.broadcasted_iota(jnp.int32, (1, 128), 1)
    stat_add = jnp.where(lane == 0, loss_t, 0.0)

    @pl.when(pid == 0)
    def _init():
        counts_ref[...] = counts_add
        stats_ref[...] = stat_add

    @pl.when(pid > 0)
    def _accum():
        counts_ref[...] += counts_add
        stats_ref[...] += stat_add

    @pl.when(pid == NT - 1)
    def _finish():
        counts = counts_ref[...]
        avg = counts * (1.0 / NTOK)
        ent = jnp.sum(avg * jnp.log(avg + 1e-10))
        perp = jnp.exp(-ent)
        cs = cs_ref[...]
        used = jnp.sum((cs > 1e-5).astype(jnp.float32)) * (1.0 / K)
        s = stats_ref[...]
        loss_total = jnp.sum(jnp.where(lane == 0, s, 0.0)) * LOSS_SCALE
        stats_ref[...] = jnp.where(lane == 0, loss_total,
                         jnp.where(lane == 1, perp,
                         jnp.where(lane == 2, used, 0.0)))


def _vq_call(flat, eTm2, esq, cs2):
    return pl.pallas_call(
        _vq_body,
        grid=(NT,),
        in_specs=[
            pl.BlockSpec((TILE, DM), lambda i: (i, 0)),
            pl.BlockSpec((DM, K), lambda i: (0, 0)),
            pl.BlockSpec((1, K), lambda i: (0, 0)),
            pl.BlockSpec((8, 128), lambda i: (0, 0)),
        ],
        out_specs=[
            pl.BlockSpec((TILE, 1), lambda i: (i, 0)),
            pl.BlockSpec((1, K), lambda i: (0, 0)),
            pl.BlockSpec((1, 128), lambda i: (0, 0)),
        ],
        out_shape=[
            jax.ShapeDtypeStruct((NTOK, 1), jnp.int32),
            jax.ShapeDtypeStruct((1, K), jnp.float32),
            jax.ShapeDtypeStruct((1, 128), jnp.float32),
        ],
    )(flat, eTm2, esq, cs2)


def _sc_gather(table_padded, idx):
    info = plsc.get_sparse_core_info()
    nw = info.num_cores * info.num_subcores
    bpw = NTOK // nw
    mesh = plsc.VectorSubcoreMesh(core_axis_name="c", subcore_axis_name="s")
    nch = 4
    ch = bpw // nch

    @functools.partial(
        pl.kernel, mesh=mesh,
        out_type=jax.ShapeDtypeStruct((NTOK, DP), jnp.float32),
        scratch_types=[
            pltpu.VMEM((bpw,), jnp.int32),
            pltpu.VMEM((ch, DP), jnp.float32),
            pltpu.VMEM((ch, DP), jnp.float32),
            pltpu.SemaphoreType.DMA,
            pltpu.SemaphoreType.DMA,
        ],
    )
    def k(table_hbm, idx_hbm, out_hbm, idx_v, rows_a, rows_b, sem_a, sem_b):
        wid = lax.axis_index("s") * info.num_cores + lax.axis_index("c")
        base = wid * bpw
        pltpu.sync_copy(idx_hbm.at[pl.ds(base, bpw)], idx_v)
        bufs = [rows_a, rows_b]
        sems = [sem_a, sem_b]
        cps = []
        for c in range(nch):
            b = c % 2
            cps.append(pltpu.async_copy(
                table_hbm.at[idx_v.at[pl.ds(c * ch, ch)]], bufs[b], sems[b]))
            if c >= 1:
                cps[c - 1].wait()
                pltpu.sync_copy(bufs[(c - 1) % 2],
                                out_hbm.at[pl.ds(base + (c - 1) * ch, ch)])
        cps[nch - 1].wait()
        pltpu.sync_copy(bufs[(nch - 1) % 2],
                        out_hbm.at[pl.ds(base + (nch - 1) * ch, ch)])

    return k(table_padded, idx)


def kernel(z, embedding, cluster_size):
    B, C, D, H, W = z.shape
    flat = jnp.transpose(z, (0, 2, 3, 4, 1)).reshape(NTOK, DM)
    embedding = embedding.at[0].set(0.0).at[1].set(6.0)
    eTm2 = embedding.T * (-2.0)
    esq = jnp.sum(embedding ** 2, axis=1)[None, :]
    cs2 = cluster_size.reshape(8, 128)
    idx, _counts, stats = _vq_call(flat, eTm2, esq, cs2)
    table_padded = jnp.pad(embedding, ((0, 0), (0, DP - DM)))
    q = _sc_gather(table_padded, idx.reshape(NTOK))[:, :DM]
    qr = jnp.transpose(q.reshape(B, D, H, W, C), (0, 4, 1, 2, 3))
    idx_out = idx.reshape(B, D, H, W)
    total_loss = stats[0, 0]
    perplexity = stats[0, 1]
    used = stats[0, 2]
    return (qr, total_loss, idx_out, perplexity, used)

# --- scband reference (transcript-rebuilt; emitter-appended) ---
"""Pipeline reference for scband-vector-quantizer-ema-14843406975522 (READ-ONLY COPY).

The authoritative reference and input builder live on the scoring server;
editing this copy changes nothing except your own understanding.
"""

import jax, jax.numpy as jnp
import numpy as np

NUM_EMBEDDINGS = 1024
EMBEDDING_DIM = 64
DECAY = 0.99
EPSILON = 1e-06
COMMITMENT_COST = 0.25


def setup_inputs(seed: int = 0) -> dict:
    key = jax.random.key(seed)
    k1, k2 = jax.random.split(key)
    z = jax.random.normal(k1, (4, 64, 8, 32, 32), dtype=jnp.float32)
    emb = jax.random.normal(k2, (NUM_EMBEDDINGS, EMBEDDING_DIM), dtype=jnp.float32)
    emb = emb / (jnp.linalg.norm(emb, axis=1, keepdims=True) + 1e-12) * 0.1
    emb = emb.at[0].set(0.0)
    emb = emb.at[1].set(6.0)
    cluster_size = jnp.ones((NUM_EMBEDDINGS,), dtype=jnp.float32)
    return {"z": z, "embedding": emb, "cluster_size": cluster_size}


def reference(z, embedding, cluster_size):
    # Re-pin the two special codebook rows, as the torch forward does
    emb = embedding.at[0].set(0.0)
    emb = emb.at[1].set(6.0)
    B, C, D, H, W = z.shape
    flat_input = jnp.transpose(z, (0, 2, 3, 4, 1)).reshape(-1, EMBEDDING_DIM)
    # Euclidean cdist between flat_input [N, d] and emb [K, d]
    d2 = (jnp.sum(flat_input ** 2, axis=1, keepdims=True)
          - 2.0 * flat_input @ emb.T
          + jnp.sum(emb ** 2, axis=1)[None, :])
    distances = jnp.sqrt(jnp.maximum(d2, 0.0))
    encoding_indices = jnp.argmin(distances, axis=1)
    encodings = jax.nn.one_hot(encoding_indices, NUM_EMBEDDINGS, dtype=flat_input.dtype)
    quantized = encodings @ emb
    quantized_reshaped = quantized.reshape(B, D, H, W, C)
    quantized_reshaped = jnp.transpose(quantized_reshaped, (0, 4, 1, 2, 3))
    avg_probs = jnp.mean(encodings, axis=0)
    perplexity = jnp.exp(-jnp.sum(avg_probs * jnp.log(avg_probs + 1e-10)))
    used_codes = jnp.sum(cluster_size > 1e-05).astype(jnp.float32) / NUM_EMBEDDINGS
    # eval mode: no EMA buffer update
    quantized_st = z + jax.lax.stop_gradient(quantized_reshaped - z)
    commitment_loss = COMMITMENT_COST * jnp.mean((jax.lax.stop_gradient(quantized_reshaped) - z) ** 2)
    total_loss = commitment_loss
    encoding_indices_out = encoding_indices.reshape(B, D, H, W)
    return (quantized_st, total_loss, encoding_indices_out, perplexity, used_codes)

if __name__ == "__main__":
    import jax
    _d = setup_inputs()
    print(jax.jit(kernel)(*tuple(_d.values())))

</pallas_src>

<mosaic_0001>
#map = affine_map<(d0, d1) -> (0, 0)>
#map1 = affine_map<(d0, d1) -> (0)>
module attributes {stable_mosaic.version = 14 : i64} {
  func.func @k(%arg0: i32, %arg1: i32, %arg2: memref<1024x128xf32, #tpu.memory_space<hbm>>, %arg3: memref<32768xi32, #tpu.memory_space<hbm>>, %arg4: memref<32768x128xf32, #tpu.memory_space<hbm>>, %arg5: memref<1024xi32, #tpu.memory_space<vmem>>, %arg6: memref<256x128xf32, #tpu.memory_space<vmem>>, %arg7: memref<256x128xf32, #tpu.memory_space<vmem>>, %arg8: memref<!tpu.dma_semaphore, #tpu.memory_space<semaphore_mem>>, %arg9: memref<!tpu.dma_semaphore, #tpu.memory_space<semaphore_mem>>) attributes {dimension_semantics = [#tpu.dimension_semantics<core_parallel>, #tpu.dimension_semantics<subcore_parallel>], iteration_bounds = array<i64: 2, 16>, scalar_prefetch = 0 : i64, scratch_operands = 5 : i64, tpu.core_type = #tpu.core_type<sc_vector_subcore>, window_params = [{transform_indices = #map}, {transform_indices = #map1}, {transform_indices = #map}]} {
    %mul3A = arith.constant 2 : i32
    %mul3A_0 = arith.muli %arg1, %mul3A : i32
    %add3A = arith.addi %mul3A_0, %arg0 : i32
    %mul3A_1 = arith.constant 1024 : i32
    %mul3A_2 = arith.muli %add3A, %mul3A_1 : i32
    "tpu.region"() ({
      %run_scoped3A = tpu.sem_alloc : memref<!tpu.dma_semaphore, #tpu.memory_space<semaphore_mem>>
      %dma_start3A_49 = tpu.memref_slice %arg3[%mul3A_2] : memref<32768xi32, #tpu.memory_space<hbm>> -> memref<1024xi32, #tpu.memory_space<hbm>>
      %dma_start3A_50 = tpu.memref_slice %arg3[%mul3A_2] : memref<32768xi32, #tpu.memory_space<hbm>> -> memref<1024xi32, #tpu.memory_space<hbm>>
      tpu.enqueue_dma source(%dma_start3A_50 : memref<1024xi32, #tpu.memory_space<hbm>>) target(%arg5 : memref<1024xi32, #tpu.memory_space<vmem>>) target_semaphore(%run_scoped3A : memref<!tpu.dma_semaphore, #tpu.memory_space<semaphore_mem>>)
      %dma_wait3A_51 = tpu.memref_slice %arg3[%mul3A_2] : memref<32768xi32, #tpu.memory_space<hbm>> -> memref<1024xi32, #tpu.memory_space<hbm>>
      %dma_wait3A_52 = tpu.memref_slice %arg3[%mul3A_2] : memref<32768xi32, #tpu.memory_space<hbm>> -> memref<1024xi32, #tpu.memory_space<hbm>>
      tpu.wait_dma2 semaphore(%run_scoped3A : memref<!tpu.dma_semaphore, #tpu.memory_space<semaphore_mem>>) src(%dma_wait3A_52 : memref<1024xi32, #tpu.memory_space<hbm>>) dst(%arg5 : memref<1024xi32, #tpu.memory_space<vmem>>)
      tpu.yield
    }) : () -> ()
    %dma_start3A = arith.constant 0 : i32
    %dma_start3A_3 = tpu.memref_slice %arg5[%dma_start3A] : memref<1024xi32, #tpu.memory_space<vmem>> -> memref<256xi32, #tpu.memory_space<vmem>>
    %dma_start3A_4 = arith.constant 0 : i32
    %dma_start3A_5 = arith.constant 0 : i32
    %dma_start3A_6 = tpu.memref_slice %arg2[%dma_start3A_4, %dma_start3A_5] : memref<1024x128xf32, #tpu.memory_space<hbm>> -> memref<1024x128xf32, #tpu.memory_space<hbm>>
    tpu.enqueue_indirect_dma source(%dma_start3A_6 : memref<1024x128xf32, #tpu.memory_space<hbm>>) target(%arg6 : memref<256x128xf32, #tpu.memory_space<vmem>>) offsets(%dma_start3A_3 : memref<256xi32, #tpu.memory_space<vmem>>) semaphore(%arg8 : memref<!tpu.dma_semaphore, #tpu.memory_space<semaphore_mem>>)
    %dma_start3A_7 = arith.constant 256 : i32
    %dma_start3A_8 = tpu.memref_slice %arg5[%dma_start3A_7] : memref<1024xi32, #tpu.memory_space<vmem>> -> memref<256xi32, #tpu.memory_space<vmem>>
    %dma_start3A_9 = arith.constant 0 : i32
    %dma_start3A_10 = arith.constant 0 : i32
    %dma_start3A_11 = tpu.memref_slice %arg2[%dma_start3A_9, %dma_start3A_10] : memref<1024x128xf32, #tpu.memory_space<hbm>> -> memref<1024x128xf32, #tpu.memory_space<hbm>>
    tpu.enqueue_indirect_dma source(%dma_start3A_11 : memref<1024x128xf32, #tpu.memory_space<hbm>>) target(%arg7 : memref<256x128xf32, #tpu.memory_space<vmem>>) offsets(%dma_start3A_8 : memref<256xi32, #tpu.memory_space<vmem>>) semaphore(%arg9 : memref<!tpu.dma_semaphore, #tpu.memory_space<semaphore_mem>>)
    %dma_wait3A = arith.constant 0 : i32
    %dma_wait3A_12 = tpu.memref_slice %arg5[%dma_wait3A] : memref<1024xi32, #tpu.memory_space<vmem>> -> memref<256xi32, #tpu.memory_space<vmem>>
    %dma_wait3A_13 = arith.constant 0 : i32
    %dma_wait3A_14 = arith.constant 0 : i32
    %dma_wait3A_15 = tpu.memref_slice %arg2[%dma_wait3A_13, %dma_wait3A_14] : memref<1024x128xf32, #tpu.memory_space<hbm>> -> memref<1024x128xf32, #tpu.memory_space<hbm>>
    tpu.wait_indirect_dma semaphore(%arg8 : memref<!tpu.dma_semaphore, #tpu.memory_space<semaphore_mem>>) src(%dma_wait3A_15 : memref<1024x128xf32, #tpu.memory_space<hbm>>) dst(%arg6 : memref<256x128xf32, #tpu.memory_space<vmem>>)
    %add3A_16 = arith.constant 0 : i32
    %add3A_17 = arith.addi %mul3A_2, %add3A_16 : i32
    "tpu.region"() ({
      %run_scoped3A = tpu.sem_alloc : memref<!tpu.dma_semaphore, #tpu.memory_space<semaphore_mem>>
      %dma_start3A_49 = arith.constant 0 : i32
      %dma_start3A_50 = tpu.memref_slice %arg4[%add3A_17, %dma_start3A_49] : memref<32768x128xf32, #tpu.memory_space<hbm>> -> memref<256x128xf32, #tpu.memory_space<hbm>>
      %dma_start3A_51 = arith.constant 0 : i32
      %dma_start3A_52 = tpu.memref_slice %arg4[%add3A_17, %dma_start3A_51] : memref<32768x128xf32, #tpu.memory_space<hbm>> -> memref<256x128xf32, #tpu.memory_space<hbm>>
      tpu.enqueue_dma source(%arg6 : memref<256x128xf32, #tpu.memory_space<vmem>>) target(%dma_start3A_52 : memref<256x128xf32, #tpu.memory_space<hbm>>) target_semaphore(%run_scoped3A : memref<!tpu.dma_semaphore, #tpu.memory_space<semaphore_mem>>)
      %dma_wait3A_53 = arith.constant 0 : i32
      %dma_wait3A_54 = tpu.memref_slice %arg4[%add3A_17, %dma_wait3A_53] : memref<32768x128xf32, #tpu.memory_space<hbm>> -> memref<256x128xf32, #tpu.memory_space<hbm>>
      %dma_wait3A_55 = arith.constant 0 : i32
      %dma_wait3A_56 = tpu.memref_slice %arg4[%add3A_17, %dma_wait3A_55] : memref<32768x128xf32, #tpu.memory_space<hbm>> -> memref<256x128xf32, #tpu.memory_space<hbm>>
      tpu.wait_dma2 semaphore(%run_scoped3A : memref<!tpu.dma_semaphore, #tpu.memory_space<semaphore_mem>>) src(%arg6 : memref<256x128xf32, #tpu.memory_space<vmem>>) dst(%dma_wait3A_56 : memref<256x128xf32, #tpu.memory_space<hbm>>)
      tpu.yield
    }) : () -> ()
    %dma_start3A_18 = arith.constant 512 : i32
    %dma_start3A_19 = tpu.memref_slice %arg5[%dma_start3A_18] : memref<1024xi32, #tpu.memory_space<vmem>> -> memref<256xi32, #tpu.memory_space<vmem>>
    %dma_start3A_20 = arith.constant 0 : i32
    %dma_start3A_21 = arith.constant 0 : i32
    %dma_start3A_22 = tpu.memref_slice %arg2[%dma_start3A_20, %dma_start3A_21] : memref<1024x128xf32, #tpu.memory_space<hbm>> -> memref<1024x128xf32, #tpu.memory_space<hbm>>
    tpu.enqueue_indirect_dma source(%dma_start3A_22 : memref<1024x128xf32, #tpu.memory_space<hbm>>) target(%arg6 : memref<256x128xf32, #tpu.memory_space<vmem>>) offsets(%dma_start3A_19 : memref<256xi32, #tpu.memory_space<vmem>>) semaphore(%arg8 : memref<!tpu.dma_semaphore, #tpu.memory_space<semaphore_mem>>)
    %dma_wait3A_23 = arith.constant 256 : i32
    %dma_wait3A_24 = tpu.memref_slice %arg5[%dma_wait3A_23] : memref<1024xi32, #tpu.memory_space<vmem>> -> memref<256xi32, #tpu.memory_space<vmem>>
    %dma_wait3A_25 = arith.constant 0 : i32
    %dma_wait3A_26 = arith.constant 0 : i32
    %dma_wait3A_27 = tpu.memref_slice %arg2[%dma_wait3A_25, %dma_wait3A_26] : memref<1024x128xf32, #tpu.memory_space<hbm>> -> memref<1024x128xf32, #tpu.memory_space<hbm>>
    tpu.wait_indirect_dma semaphore(%arg9 : memref<!tpu.dma_semaphore, #tpu.memory_space<semaphore_mem>>) src(%dma_wait3A_27 : memref<1024x128xf32, #tpu.memory_space<hbm>>) dst(%arg7 : memref<256x128xf32, #tpu.memory_space<vmem>>)
    %add3A_28 = arith.constant 256 : i32
    %add3A_29 = arith.addi %mul3A_2, %add3A_28 : i32
    "tpu.region"() ({
      %run_scoped3A = tpu.sem_alloc : memref<!tpu.dma_semaphore, #tpu.memory_space<semaphore_mem>>
      %dma_start3A_49 = arith.constant 0 : i32
      %dma_start3A_50 = tpu.memref_slice %arg4[%add3A_29, %dma_start3A_49] : memref<32768x128xf32, #tpu.memory_space<hbm>> -> memref<256x128xf32, #tpu.memory_space<hbm>>
      %dma_start3A_51 = arith.constant 0 : i32
      %dma_start3A_52 = tpu.memref_slice %arg4[%add3A_29, %dma_start3A_51] : memref<32768x128xf32, #tpu.memory_space<hbm>> -> memref<256x128xf32, #tpu.memory_space<hbm>>
      tpu.enqueue_dma source(%arg7 : memref<256x128xf32, #tpu.memory_space<vmem>>) target(%dma_start3A_52 : memref<256x128xf32, #tpu.memory_space<hbm>>) target_semaphore(%run_scoped3A : memref<!tpu.dma_semaphore, #tpu.memory_space<semaphore_mem>>)
      %dma_wait3A_53 = arith.constant 0 : i32
      %dma_wait3A_54 = tpu.memref_slice %arg4[%add3A_29, %dma_wait3A_53] : memref<32768x128xf32, #tpu.memory_space<hbm>> -> memref<256x128xf32, #tpu.memory_space<hbm>>
      %dma_wait3A_55 = arith.constant 0 : i32
      %dma_wait3A_56 = tpu.memref_slice %arg4[%add3A_29, %dma_wait3A_55] : memref<32768x128xf32, #tpu.memory_space<hbm>> -> memref<256x128xf32, #tpu.memory_space<hbm>>
      tpu.wait_dma2 semaphore(%run_scoped3A : memref<!tpu.dma_semaphore, #tpu.memory_space<semaphore_mem>>) src(%arg7 : memref<256x128xf32, #tpu.memory_space<vmem>>) dst(%dma_wait3A_56 : memref<256x128xf32, #tpu.memory_space<hbm>>)
      tpu.yield
    }) : () -> ()
    %dma_start3A_30 = arith.constant 768 : i32
    %dma_start3A_31 = tpu.memref_slice %arg5[%dma_start3A_30] : memref<1024xi32, #tpu.memory_space<vmem>> -> memref<256xi32, #tpu.memory_space<vmem>>
    %dma_start3A_32 = arith.constant 0 : i32
    %dma_start3A_33 = arith.constant 0 : i32
    %dma_start3A_34 = tpu.memref_slice %arg2[%dma_start3A_32, %dma_start3A_33] : memref<1024x128xf32, #tpu.memory_space<hbm>> -> memref<1024x128xf32, #tpu.memory_space<hbm>>
    tpu.enqueue_indirect_dma source(%dma_start3A_34 : memref<1024x128xf32, #tpu.memory_space<hbm>>) target(%arg7 : memref<256x128xf32, #tpu.memory_space<vmem>>) offsets(%dma_start3A_31 : memref<256xi32, #tpu.memory_space<vmem>>) semaphore(%arg9 : memref<!tpu.dma_semaphore, #tpu.memory_space<semaphore_mem>>)
    %dma_wait3A_35 = arith.constant 512 : i32
    %dma_wait3A_36 = tpu.memref_slice %arg5[%dma_wait3A_35] : memref<1024xi32, #tpu.memory_space<vmem>> -> memref<256xi32, #tpu.memory_space<vmem>>
    %dma_wait3A_37 = arith.constant 0 : i32
    %dma_wait3A_38 = arith.constant 0 : i32
    %dma_wait3A_39 = tpu.memref_slice %arg2[%dma_wait3A_37, %dma_wait3A_38] : memref<1024x128xf32, #tpu.memory_space<hbm>> -> memref<1024x128xf32, #tpu.memory_space<hbm>>
    tpu.wait_indirect_dma semaphore(%arg8 : memref<!tpu.dma_semaphore, #tpu.memory_space<semaphore_mem>>) src(%dma_wait3A_39 : memref<1024x128xf32, #tpu.memory_space<hbm>>) dst(%arg6 : memref<256x128xf32, #tpu.memory_space<vmem>>)
    %add3A_40 = arith.constant 512 : i32
    %add3A_41 = arith.addi %mul3A_2, %add3A_40 : i32
    "tpu.region"() ({
      %run_scoped3A = tpu.sem_alloc : memref<!tpu.dma_semaphore, #tpu.memory_space<semaphore_mem>>
      %dma_start3A_49 = arith.constant 0 : i32
      %dma_start3A_50 = tpu.memref_slice %arg4[%add3A_41, %dma_start3A_49] : memref<32768x128xf32, #tpu.memory_space<hbm>> -> memref<256x128xf32, #tpu.memory_space<hbm>>
      %dma_start3A_51 = arith.constant 0 : i32
      %dma_start3A_52 = tpu.memref_slice %arg4[%add3A_41, %dma_start3A_51] : memref<32768x128xf32, #tpu.memory_space<hbm>> -> memref<256x128xf32, #tpu.memory_space<hbm>>
      tpu.enqueue_dma source(%arg6 : memref<256x128xf32, #tpu.memory_space<vmem>>) target(%dma_start3A_52 : memref<256x128xf32, #tpu.memory_space<hbm>>) target_semaphore(%run_scoped3A : memref<!tpu.dma_semaphore, #tpu.memory_space<semaphore_mem>>)
      %dma_wait3A_53 = arith.constant 0 : i32
      %dma_wait3A_54 = tpu.memref_slice %arg4[%add3A_41, %dma_wait3A_53] : memref<32768x128xf32, #tpu.memory_space<hbm>> -> memref<256x128xf32, #tpu.memory_space<hbm>>
      %dma_wait3A_55 = arith.constant 0 : i32
      %dma_wait3A_56 = tpu.memref_slice %arg4[%add3A_41, %dma_wait3A_55] : memref<32768x128xf32, #tpu.memory_space<hbm>> -> memref<256x128xf32, #tpu.memory_space<hbm>>
      tpu.wait_dma2 semaphore(%run_scoped3A : memref<!tpu.dma_semaphore, #tpu.memory_space<semaphore_mem>>) src(%arg6 : memref<256x128xf32, #tpu.memory_space<vmem>>) dst(%dma_wait3A_56 : memref<256x128xf32, #tpu.memory_space<hbm>>)
      tpu.yield
    }) : () -> ()
    %dma_wait3A_42 = arith.constant 768 : i32
    %dma_wait3A_43 = tpu.memref_slice %arg5[%dma_wait3A_42] : memref<1024xi32, #tpu.memory_space<vmem>> -> memref<256xi32, #tpu.memory_space<vmem>>
    %dma_wait3A_44 = arith.constant 0 : i32
    %dma_wait3A_45 = arith.constant 0 : i32
    %dma_wait3A_46 = tpu.memref_slice %arg2[%dma_wait3A_44, %dma_wait3A_45] : memref<1024x128xf32, #tpu.memory_space<hbm>> -> memref<1024x128xf32, #tpu.memory_space<hbm>>
    tpu.wait_indirect_dma semaphore(%arg9 : memref<!tpu.dma_semaphore, #tpu.memory_space<semaphore_mem>>) src(%dma_wait3A_46 : memref<1024x128xf32, #tpu.memory_space<hbm>>) dst(%arg7 : memref<256x128xf32, #tpu.memory_space<vmem>>)
    %add3A_47 = arith.constant 768 : i32
    %add3A_48 = arith.addi %mul3A_2, %add3A_47 : i32
    "tpu.region"() ({
      %run_scoped3A = tpu.sem_alloc : memref<!tpu.dma_semaphore, #tpu.memory_space<semaphore_mem>>
      %dma_start3A_49 = arith.constant 0 : i32
      %dma_start3A_50 = tpu.memref_slice %arg4[%add3A_48, %dma_start3A_49] : memref<32768x128xf32, #tpu.memory_space<hbm>> -> memref<256x128xf32, #tpu.memory_space<hbm>>
      %dma_start3A_51 = arith.constant 0 : i32
      %dma_start3A_52 = tpu.memref_slice %arg4[%add3A_48, %dma_start3A_51] : memref<32768x128xf32, #tpu.memory_space<hbm>> -> memref<256x128xf32, #tpu.memory_space<hbm>>
      tpu.enqueue_dma source(%arg7 : memref<256x128xf32, #tpu.memory_space<vmem>>) target(%dma_start3A_52 : memref<256x128xf32, #tpu.memory_space<hbm>>) target_semaphore(%run_scoped3A : memref<!tpu.dma_semaphore, #tpu.memory_space<semaphore_mem>>)
      %dma_wait3A_53 = arith.constant 0 : i32
      %dma_wait3A_54 = tpu.memref_slice %arg4[%add3A_48, %dma_wait3A_53] : memref<32768x128xf32, #tpu.memory_space<hbm>> -> memref<256x128xf32, #tpu.memory_space<hbm>>
      %dma_wait3A_55 = arith.constant 0 : i32
      %dma_wait3A_56 = tpu.memref_slice %arg4[%add3A_48, %dma_wait3A_55] : memref<32768x128xf32, #tpu.memory_space<hbm>> -> memref<256x128xf32, #tpu.memory_space<hbm>>
      tpu.wait_dma2 semaphore(%run_scoped3A : memref<!tpu.dma_semaphore, #tpu.memory_space<semaphore_mem>>) src(%arg7 : memref<256x128xf32, #tpu.memory_space<vmem>>) dst(%dma_wait3A_56 : memref<256x128xf32, #tpu.memory_space<hbm>>)
      tpu.yield
    }) : () -> ()
    return
  }
}

module attributes {stable_mosaic.version = 14 : i64} {
  func.func @_vq_body(%arg0: i32, %arg1: memref<1024x64xf32, #tpu.memory_space<vmem>>, %arg2: memref<64x1024xf32, #tpu.memory_space<vmem>>, %arg3: memref<1x1024xf32, #tpu.memory_space<vmem>>, %arg4: memref<8x128xf32, #tpu.memory_space<vmem>>, %arg5: memref<1024x1xi32, #tpu.memory_space<vmem>>, %arg6: memref<1x1024xf32, #tpu.memory_space<vmem>>, %arg7: memref<1x128xf32, #tpu.memory_space<vmem>>) attributes {dimension_semantics = [#tpu.dimension_semantics<arbitrary>], iteration_bounds = array<i64: 32>, scalar_prefetch = 0 : i64, scratch_operands = 0 : i64, tpu.core_type = #tpu.core_type<tc>, window_params = [{transform_indices = @transform_0, window_bounds = array<i64: 1024, 64>}, {pipeline_mode = #tpu.pipeline_mode<synchronous>, transform_indices = @transform_1, window_bounds = array<i64: 64, 1024>}, {pipeline_mode = #tpu.pipeline_mode<synchronous>, transform_indices = @transform_2, window_bounds = array<i64: 1, 1024>}, {pipeline_mode = #tpu.pipeline_mode<synchronous>, transform_indices = @transform_3, window_bounds = array<i64: 8, 128>}, {transform_indices = @transform_4, window_bounds = array<i64: 1024, 1>}, {pipeline_mode = #tpu.pipeline_mode<synchronous>, transform_indices = @transform_5, window_bounds = array<i64: 1, 1024>}, {pipeline_mode = #tpu.pipeline_mode<synchronous>, transform_indices = @transform_6, window_bounds = array<i64: 1, 128>}]} {
    %get3A = arith.constant 0 : index
    %get3A_0 = arith.constant 0 : index
    %get3A_1 = vector.load %arg1[%get3A, %get3A_0] : memref<1024x64xf32, #tpu.memory_space<vmem>>, vector<1024x64xf32>
    %mul3A = arith.mulf %get3A_1, %get3A_1 : vector<1024x64xf32>
    %reduce_sum3A = arith.constant dense<0.000000e+00> : vector<1024xf32>
    %reduce_sum3A_2 = vector.multi_reduction <add>, %mul3A, %reduce_sum3A [1] : vector<1024x64xf32> to vector<1024xf32>
    %broadcast_in_dim3A = vector.shape_cast %reduce_sum3A_2 : vector<1024xf32> to vector<1024x1xf32>
    %get3A_3 = arith.constant 0 : index
    %get3A_4 = arith.constant 0 : index
    %get3A_5 = vector.load %arg2[%get3A_3, %get3A_4] : memref<64x1024xf32, #tpu.memory_space<vmem>>, vector<64x1024xf32>
    %dot_general3A = arith.constant dense<0.000000e+00> : vector<1024x1024xf32>
    %dot_general3A_6 = tpu.matmul %get3A_1, %get3A_5, %dot_general3A {dimension_numbers = #tpu.dot_dimension_numbers<[1], [0], [0], [1], [0, 0, 1, 1], [], []>, transpose_lhs_hint = false} : vector<1024x64xf32>, vector<64x1024xf32>, vector<1024x1024xf32> -> vector<1024x1024xf32>
    %add3A = vector.broadcast %broadcast_in_dim3A : vector<1024x1xf32> to vector<1024x1024xf32>
    %add3A_7 = arith.addf %add3A, %dot_general3A_6 : vector<1024x1024xf32>
    %get3A_8 = arith.constant 0 : index
    %get3A_9 = arith.constant 0 : index
    %get3A_10 = vector.load %arg3[%get3A_8, %get3A_9] : memref<1x1024xf32, #tpu.memory_space<vmem>>, vector<1x1024xf32>
    %add3A_11 = vector.broadcast %get3A_10 : vector<1x1024xf32> to vector<1024x1024xf32>
    %add3A_12 = arith.addf %add3A_7, %add3A_11 : vector<1024x1024xf32>
    %max3A = arith.constant 0.000000e+00 : f32
    %max3A_13 = vector.broadcast %max3A : f32 to vector<1024x1024xf32>
    %max3A_14 = arith.maximumf %add3A_12, %max3A_13 : vector<1024x1024xf32>
    %sqrt3A = math.sqrt %max3A_14 : vector<1024x1024xf32>
    %reduce_min3A = arith.constant dense<0x7F800000> : vector<1024xf32>
    %reduce_min3A_15 = vector.multi_reduction <minimumf>, %sqrt3A, %reduce_min3A [1] : vector<1024x1024xf32> to vector<1024xf32>
    %broadcast_in_dim3A_16 = vector.shape_cast %reduce_min3A_15 : vector<1024xf32> to vector<1024x1xf32>
    %iota3A = tpu.iota {dimensions = array<i32: 1>} : vector<1024x1024xi32>
    %eq3A = vector.broadcast %broadcast_in_dim3A_16 : vector<1024x1xf32> to vector<1024x1024xf32>
    %eq3A_17 = arith.cmpf oeq, %sqrt3A, %eq3A : vector<1024x1024xf32>
    %jit3A = arith.constant 1024 : i32
    %broadcast_in_dim3A_18 = vector.broadcast %jit3A : i32 to vector<1024x1024xi32>
    %select_n3A = arith.select %eq3A_17, %iota3A, %broadcast_in_dim3A_18 : vector<1024x1024xi1>, vector<1024x1024xi32>
    %reduce_min3A_19 = arith.constant dense<2147483647> : vector<1024xi32>
    %reduce_min3A_20 = vector.multi_reduction <minsi>, %select_n3A, %reduce_min3A_19 [1] : vector<1024x1024xi32> to vector<1024xi32>
    %reshape3A = vector.shape_cast %reduce_min3A_20 : vector<1024xi32> to vector<1024x1xi32>
    %swap3A = arith.constant 0 : index
    %swap3A_21 = arith.constant 0 : index
    %swap3A_22 = vector.load %arg5[%swap3A, %swap3A_21] : memref<1024x1xi32, #tpu.memory_space<vmem>>, vector<1024x1xi32>
    tpu.vector_store %arg5[%swap3A, %swap3A_21], %reshape3A {strides = array<i32>} : memref<1024x1xi32, #tpu.memory_space<vmem>>, vector<1024x1xi32>,
    %eq3A_23 = vector.broadcast %reshape3A : vector<1024x1xi32> to vector<1024x1024xi32>
    %eq3A_24 = arith.cmpi eq, %iota3A, %eq3A_23 : vector<1024x1024xi32>
    %convert_element_type3A = arith.extui %eq3A_24 : vector<1024x1024xi1> to vector<1024x1024xi32>
    %convert_element_type3A_25 = arith.sitofp %convert_element_type3A : vector<1024x1024xi32> to vector<1024x1024xf32>
    %broadcast_in_dim3A_26 = arith.constant 1.000000e+00 : f32
    %broadcast_in_dim3A_27 = vector.broadcast %broadcast_in_dim3A_26 : f32 to vector<1x1024xf32>
    %dot_general3A_28 = arith.constant dense<0.000000e+00> : vector<1x1024xf32>
    %dot_general3A_29 = tpu.matmul %broadcast_in_dim3A_27, %convert_element_type3A_25, %dot_general3A_28 {dimension_numbers = #tpu.dot_dimension_numbers<[1], [0], [0], [1], [0, 0, 1, 1], [], []>, transpose_lhs_hint = false} : vector<1x1024xf32>, vector<1024x1024xf32>, vector<1x1024xf32> -> vector<1x1024xf32>
    %mul3A_30 = arith.mulf %broadcast_in_dim3A_16, %broadcast_in_dim3A_16 : vector<1024x1xf32>
    %reduce_sum3A_31 = vector.shape_cast %mul3A_30 : vector<1024x1xf32> to vector<1x1024x1xf32>
    %reduce_sum3A_32 = arith.constant dense<0.000000e+00> : vector<1xf32>
    %reduce_sum3A_33 = vector.multi_reduction <add>, %reduce_sum3A_31, %reduce_sum3A_32 [1, 2] : vector<1x1024x1xf32> to vector<1xf32>
    %reduce_sum3A_34 = vector.shape_cast %reduce_sum3A_33 : vector<1xf32> to vector<1x1x1xf32>
    %reduce_sum3A_35 = vector.extract %reduce_sum3A_34[0, 0, 0] : f32 from vector<1x1x1xf32>
    %iota3A_36 = tpu.iota {dimensions = array<i32: 1>} : vector<1x128xi32>
    %eq3A_37 = arith.constant 0 : i32
    %eq3A_38 = vector.broadcast %eq3A_37 : i32 to vector<1x128xi32>
    %eq3A_39 = arith.cmpi eq, %iota3A_36, %eq3A_38 : vector<1x128xi32>
    %jit3A_40 = arith.constant 0.000000e+00 : f32
    %broadcast_in_dim3A_41 = vector.broadcast %reduce_sum3A_35 : f32 to vector<1x128xf32>
    %broadcast_in_dim3A_42 = vector.broadcast %jit3A_40 : f32 to vector<1x128xf32>
    %select_n3A_43 = arith.select %eq3A_39, %broadcast_in_dim3A_41, %broadcast_in_dim3A_42 : vector<1x128xi1>, vector<1x128xf32>
    %eq3A_44 = arith.constant 0 : i32
    %eq3A_45 = arith.cmpi eq, %arg0, %eq3A_44 : i32
    %convert_element_type3A_46 = arith.extui %eq3A_45 : i1 to i32
    %cond3A = arith.constant 0 : i32
    %cond3A_47 = arith.cmpi ne, %convert_element_type3A_46, %cond3A : i32
    scf.if %cond3A_47 {
      %swap3A_57 = arith.constant 0 : index
      %swap3A_58 = arith.constant 0 : index
      %swap3A_59 = vector.load %arg6[%swap3A_57, %swap3A_58] : memref<1x1024xf32, #tpu.memory_space<vmem>>, vector<1x1024xf32>
      tpu.vector_store %arg6[%swap3A_57, %swap3A_58], %dot_general3A_29 {strides = array<i32>} : memref<1x1024xf32, #tpu.memory_space<vmem>>, vector<1x1024xf32>,
      %swap3A_60 = arith.constant 0 : index
      %swap3A_61 = arith.constant 0 : index
      %swap3A_62 = vector.load %arg7[%swap3A_60, %swap3A_61] : memref<1x128xf32, #tpu.memory_space<vmem>>, vector<1x128xf32>
      tpu.vector_store %arg7[%swap3A_60, %swap3A_61], %select_n3A_43 {strides = array<i32>} : memref<1x128xf32, #tpu.memory_space<vmem>>, vector<1x128xf32>,
    } else {
    }
    %gt3A = arith.constant 0 : i32
    %gt3A_48 = arith.cmpi sgt, %arg0, %gt3A : i32
    %convert_element_type3A_49 = arith.extui %gt3A_48 : i1 to i32
    %cond3A_50 = arith.constant 0 : i32
    %cond3A_51 = arith.cmpi ne, %convert_element_type3A_49, %cond3A_50 : i32
    scf.if %cond3A_51 {
      %get3A_57 = arith.constant 0 : index
      %get3A_58 = arith.constant 0 : index
      %get3A_59 = vector.load %arg6[%get3A_57, %get3A_58] : memref<1x1024xf32, #tpu.memory_space<vmem>>, vector<1x1024xf32>
      %add3A_60 = arith.addf %get3A_59, %dot_general3A_29 : vector<1x1024xf32>
      %swap3A_61 = arith.constant 0 : index
      %swap3A_62 = arith.constant 0 : index
      %swap3A_63 = vector.load %arg6[%swap3A_61, %swap3A_62] : memref<1x1024xf32, #tpu.memory_space<vmem>>, vector<1x1024xf32>
      tpu.vector_store %arg6[%swap3A_61, %swap3A_62], %add3A_60 {strides = array<i32>} : memref<1x1024xf32, #tpu.memory_space<vmem>>, vector<1x1024xf32>,
      %get3A_64 = arith.constant 0 : index
      %get3A_65 = arith.constant 0 : index
      %get3A_66 = vector.load %arg7[%get3A_64, %get3A_65] : memref<1x128xf32, #tpu.memory_space<vmem>>, vector<1x128xf32>
      %add3A_67 = arith.addf %get3A_66, %select_n3A_43 : vector<1x128xf32>
      %swap3A_68 = arith.constant 0 : index
      %swap3A_69 = arith.constant 0 : index
      %swap3A_70 = vector.load %arg7[%swap3A_68, %swap3A_69] : memref<1x128xf32, #tpu.memory_space<vmem>>, vector<1x128xf32>
      tpu.vector_store %arg7[%swap3A_68, %swap3A_69], %add3A_67 {strides = array<i32>} : memref<1x128xf32, #tpu.memory_space<vmem>>, vector<1x128xf32>,
    } else {
    }
    %eq3A_52 = arith.constant 31 : i32
    %eq3A_53 = arith.cmpi eq, %arg0, %eq3A_52 : i32
    %convert_element_type3A_54 = arith.extui %eq3A_53 : i1 to i32
    %cond3A_55 = arith.constant 0 : i32
    %cond3A_56 = arith.cmpi ne, %convert_element_type3A_54, %cond3A_55 : i32
    scf.if %cond3A_56 {
      %get3A_57 = arith.constant 0 : index
      %get3A_58 = arith.constant 0 : index
      %get3A_59 = vector.load %arg6[%get3A_57, %get3A_58] : memref<1x1024xf32, #tpu.memory_space<vmem>>, vector<1x1024xf32>
      %mul3A_60 = arith.constant 3.05175781E-5 : f32
      %mul3A_61 = vector.broadcast %mul3A_60 : f32 to vector<1x1024xf32>
      %mul3A_62 = arith.mulf %get3A_59, %mul3A_61 : vector<1x1024xf32>
      %add3A_63 = arith.constant 1.000000e-10 : f32
      %add3A_64 = vector.broadcast %add3A_63 : f32 to vector<1x1024xf32>
      %add3A_65 = arith.addf %mul3A_62, %add3A_64 : vector<1x1024xf32>
      %log3A = math.log %add3A_65 : vector<1x1024xf32>
      %mul3A_66 = arith.mulf %mul3A_62, %log3A : vector<1x1024xf32>
      %reduce_sum3A_67 = vector.shape_cast %mul3A_66 : vector<1x1024xf32> to vector<1x1x1024xf32>
      %reduce_sum3A_68 = arith.constant dense<0.000000e+00> : vector<1xf32>
      %reduce_sum3A_69 = vector.multi_reduction <add>, %reduce_sum3A_67, %reduce_sum3A_68 [1, 2] : vector<1x1x1024xf32> to vector<1xf32>
      %reduce_sum3A_70 = vector.shape_cast %reduce_sum3A_69 : vector<1xf32> to vector<1x1x1xf32>
      %reduce_sum3A_71 = vector.extract %reduce_sum3A_70[0, 0, 0] : f32 from vector<1x1x1xf32>
      %neg3A = arith.constant 0.000000e+00 : f32
      %neg3A_72 = arith.subf %neg3A, %reduce_sum3A_71 : f32
      %exp3A = math.exp %neg3A_72 : f32
      %get3A_73 = arith.constant 0 : index
      %get3A_74 = arith.constant 0 : index
      %get3A_75 = vector.load %arg4[%get3A_73, %get3A_74] : memref<8x128xf32, #tpu.memory_space<vmem>>, vector<8x128xf32>
      %gt3A_76 = arith.constant 9.99999974E-6 : f32
      %gt3A_77 = vector.broadcast %gt3A_76 : f32 to vector<8x128xf32>
      %gt3A_78 = arith.cmpf ogt, %get3A_75, %gt3A_77 : vector<8x128xf32>
      %convert_element_type3A_79 = arith.extui %gt3A_78 : vector<8x128xi1> to vector<8x128xi32>
      %convert_element_type3A_80 = arith.sitofp %convert_element_type3A_79 : vector<8x128xi32> to vector<8x128xf32>
      %reduce_sum3A_81 = vector.shape_cast %convert_element_type3A_80 : vector<8x128xf32> to vector<1x8x128xf32>
      %reduce_sum3A_82 = arith.constant dense<0.000000e+00> : vector<1xf32>
      %reduce_sum3A_83 = vector.multi_reduction <add>, %reduce_sum3A_81, %reduce_sum3A_82 [1, 2] : vector<1x8x128xf32> to vector<1xf32>
      %reduce_sum3A_84 = vector.shape_cast %reduce_sum3A_83 : vector<1xf32> to vector<1x1x1xf32>
      %reduce_sum3A_85 = vector.extract %reduce_sum3A_84[0, 0, 0] : f32 from vector<1x1x1xf32>
      %mul3A_86 = arith.constant 9.765625E-4 : f32
      %mul3A_87 = arith.mulf %reduce_sum3A_85, %mul3A_86 : f32
      %get3A_88 = arith.constant 0 : index
      %get3A_89 = arith.constant 0 : index
      %get3A_90 = vector.load %arg7[%get3A_88, %get3A_89] : memref<1x128xf32, #tpu.memory_space<vmem>>, vector<1x128xf32>
      %eq3A_91 = arith.constant 0 : i32
      %eq3A_92 = vector.broadcast %eq3A_91 : i32 to vector<1x128xi32>
      %eq3A_93 = arith.cmpi eq, %iota3A_36, %eq3A_92 : vector<1x128xi32>
      %jit3A_94 = arith.constant 0.000000e+00 : f32
      %broadcast_in_dim3A_95 = vector.broadcast %jit3A_94 : f32 to vector<1x128xf32>
      %select_n3A_96 = arith.select %eq3A_93, %get3A_90, %broadcast_in_dim3A_95 : vector<1x128xi1>, vector<1x128xf32>
      %reduce_sum3A_97 = vector.shape_cast %select_n3A_96 : vector<1x128xf32> to vector<1x1x128xf32>
      %reduce_sum3A_98 = arith.constant dense<0.000000e+00> : vector<1xf32>
      %reduce_sum3A_99 = vector.multi_reduction <add>, %reduce_sum3A_97, %reduce_sum3A_98 [1, 2] : vector<1x1x128xf32> to vector<1xf32>
      %reduce_sum3A_100 = vector.shape_cast %reduce_sum3A_99 : vector<1xf32> to vector<1x1x1xf32>
      %reduce_sum3A_101 = vector.extract %reduce_sum3A_100[0, 0, 0] : f32 from vector<1x1x1xf32>
      %mul3A_102 = arith.constant 1.1920929E-7 : f32
      %mul3A_103 = arith.mulf %reduce_sum3A_101, %mul3A_102 : f32
      %eq3A_104 = arith.constant 0 : i32
      %eq3A_105 = vector.broadcast %eq3A_104 : i32 to vector<1x128xi32>
      %eq3A_106 = arith.cmpi eq, %iota3A_36, %eq3A_105 : vector<1x128xi32>
      %eq3A_107 = arith.constant 1 : i32
      %eq3A_108 = vector.broadcast %eq3A_107 : i32 to vector<1x128xi32>
      %eq3A_109 = arith.cmpi eq, %iota3A_36, %eq3A_108 : vector<1x128xi32>
      %eq3A_110 = arith.constant 2 : i32
      %eq3A_111 = vector.broadcast %eq3A_110 : i32 to vector<1x128xi32>
      %eq3A_112 = arith.cmpi eq, %iota3A_36, %eq3A_111 : vector<1x128xi32>
      %jit3A_113 = arith.constant 0.000000e+00 : f32
      %broadcast_in_dim3A_114 = vector.broadcast %mul3A_87 : f32 to vector<1x128xf32>
      %broadcast_in_dim3A_115 = vector.broadcast %jit3A_113 : f32 to vector<1x128xf32>
      %select_n3A_116 = arith.select %eq3A_112, %broadcast_in_dim3A_114, %broadcast_in_dim3A_115 : vector<1x128xi1>, vector<1x128xf32>
      %broadcast_in_dim3A_117 = vector.broadcast %exp3A : f32 to vector<1x128xf32>
      %select_n3A_118 = arith.select %eq3A_109, %broadcast_in_dim3A_117, %select_n3A_116 : vector<1x128xi1>, vector<1x128xf32>
      %broadcast_in_dim3A_119 = vector.broadcast %mul3A_103 : f32 to vector<1x128xf32>
      %select_n3A_120 = arith.select %eq3A_106, %broadcast_in_dim3A_119, %select_n3A_118 : vector<1x128xi1>, vector<1x128xf32>
      %swap3A_121 = arith.constant 0 : index
      %swap3A_122 = arith.constant 0 : index
      %swap3A_123 = vector.load %arg7[%swap3A_121, %swap3A_122] : memref<1x128xf32, #tpu.memory_space<vmem>>, vector<1x128xf32>
      tpu.vector_store %arg7[%swap3A_121, %swap3A_122], %select_n3A_120 {strides = array<i32>} : memref<1x128xf32, #tpu.memory_space<vmem>>, vector<1x128xf32>,
    } else {
    }
    return
  }
  func.func @transform_0(%arg0: i32) -> (i32, i32) {
    %c0_i32 = arith.constant 0 : i32
    %c0_i32_0 = arith.constant 0 : i32
    return %arg0, %c0_i32 : i32, i32
  }
  func.func @transform_1(%arg0: i32) -> (i32, i32) {
    %c0_i32 = arith.constant 0 : i32
    %c0_i32_0 = arith.constant 0 : i32
    %c0_i32_1 = arith.constant 0 : i32
    return %c0_i32, %c0_i32_0 : i32, i32
  }
  func.func @transform_2(%arg0: i32) -> (i32, i32) {
    %c0_i32 = arith.constant 0 : i32
    %c0_i32_0 = arith.constant 0 : i32
    %c0_i32_1 = arith.constant 0 : i32
    return %c0_i32, %c0_i32_0 : i32, i32
  }
  func.func @transform_3(%arg0: i32) -> (i32, i32) {
    %c0_i32 = arith.constant 0 : i32
    %c0_i32_0 = arith.constant 0 : i32
    %c0_i32_1 = arith.constant 0 : i32
    return %c0_i32, %c0_i32_0 : i32, i32
  }
  func.func @transform_4(%arg0: i32) -> (i32, i32) {
    %c0_i32 = arith.constant 0 : i32
    %c0_i32_0 = arith.constant 0 : i32
    return %arg0, %c0_i32 : i32, i32
  }
  func.func @transform_5(%arg0: i32) -> (i32, i32) {
    %c0_i32 = arith.constant 0 : i32
    %c0_i32_0 = arith.constant 0 : i32
    %c0_i32_1 = arith.constant 0 : i32
    return %c0_i32, %c0_i32_0 : i32, i32
  }
  func.func @transform_6(%arg0: i32) -> (i32, i32) {
    %c0_i32 = arith.constant 0 : i32
    %c0_i32_0 = arith.constant 0 : i32
    %c0_i32_1 = arith.constant 0 : i32
    return %c0_i32, %c0_i32_0 : i32, i32
  }
}

</mosaic_0001>

<sc_bundles>
// kernel: kernel.4.cloned.1.call-start
scs
__scs_entry_jumppad:
0x0: {  	(pc) =	sbr.rel $0x88, $3  }
0x1: {  	(tag) =	ssettag $0x0;
	lr =	simm.s32 $0x1  }
0x2: {  	[smem:$0x3F9E] =	sst lr;
	_ =	strace $0xD0000000  }
0x3: {  	_ = 	snop  }
0x4: {  	_ = 	snop  }
0x5: {  	_ = 	snop  }
0x6: {  	_ = 	snop  }
0x7: {  	_ = 	snop  }
__scs_overlays_trampoline_lowered:
0x8: {  	[smem:$0x3FAD] =	sst s0  }
0x9: {  	[smem:$0x3FAE] =	sst s1  }
0xa: {  	[smem:$0x3FAF] =	sst s2  }
0xb: {  	[smem:$0x3FB0] =	sst s3  }
0xc: {  	[smem:$0x3FB1] =	sst s4  }
0xd: {  	[smem:$0x3FB2] =	sst s5  }
0xe: {  	[smem:$0x3FB3] =	sst s6  }
0xf: {  	[smem:$0x3FB4] =	sst s7  }
0x10: {  	[smem:$0x3FB5] =	sst s8  }
0x11: {  	[smem:$0x3FB6] =	sst s9;
	s0 =	simm.s32 @!p0 $0x0  }
0x12: {  	s1 =	sld [smem:$0x3F9C];
	s0 =	simm.s32 @p0 $0x1  }
0x13: {  	[smem:$0x3FB7] =	sst s0;
	s0 =	simm.s32 @!p1 $0x0  }
0x14: {  	s2 =	sld [smem:$0x3F9B];
	s0 =	simm.s32 @p1 $0x1  }
0x15: {  	[smem:$0x3FB8] =	sst s0;
	s0 =	simm.s32 @!p2 $0x0  }
0x16: {  	s3 =	sld [smem:$0x3FDB];
	s0 =	simm.s32 @p2 $0x1  }
0x17: {  	s4 =	simm.s32 $0x1BF5;
	[smem:$0x3FBA] =	sst s0  }
0x18: {  	s0 =	sld [smem:$0x3F9D];
	_ =	swait.ge [sflag:s4], $0x0  }
0x19: {  	s7 =	sld [smem:$0x3F9E]  }
0x1a: {  	s8 =	sadd.s32 $0xFFFFE003, lr  }
0x1b: {  	s9 =	sadd.s32 $0xFFFFFEF7, lr;
	s5 =	simm.s32 $0xFFFFFFFF;
	p2 =	slt.u32 s8, $0xFFFFF086  }
0x1c: {  	p1 =	slt.u32 s9, $0xF7A;
	s5 =	simm.s32 @!p2 $0x0  }
0x1d: {  	s5 =	simm.s32 @p1 $0x1;
	p0 =	seq.s32 s7, s2  }
0x1e: {  	s7 =	smul.u32 @!p0 $0xF7A, s2;
	p2 =	seq.s32 @!p0 s5, $0x0  }
0x1f: {  	s9 =	smul.u32 $0xF7A, s1;
	s8 =	simm.s32 @!p0 $0x1BF5;
	p2 =	por !p2, p0  }
0x20: {  	[sflag:s8] =	ssyncset.s32 @!p0 $0xFFFFF086;
	s6 =	sadd.s32 @!p0 s3, s7;
	s7 =	simm.s32 @!p0 $0x108  }
0x21: {  	s3 =	sadd.s32 s3, s9;
	s6 =	sadd.s32 @!p0 $0x88, s6;
	s7 =	simm.s32 @p2 $0x1082  }
0x22: {  	[simem:s7], [sflag:s8] =	dma.local @!p0 [hbm:s6], $0xF7A  }
0x23: {  	s9 =	sor.u32 $0xD0000000, s2;
	s6 =	simm.s32 $0x108;
	_ =	swait.ge @!p0 [sflag:s8], $0x0  }
0x24: {  	s3 =	sadd.s32 $0x88, s3;
	s6 =	simm.s32 @!p1 $0x1082;
	[sflag:s4] =	ssyncset.s32 $0xFFFFF086  }
0x25: {  	[simem:s6], [sflag:s4] =	dma.local [hbm:s3], $0xF7A  }
0x26: {  	[smem:$0x3F9E] =	sst s1;
	(tag) =	ssettag s2;
	_ =	strace s9  }
0x27: {  	s1 =	sld [smem:$0x3FAE]  }
0x28: {  	s2 =	sld [smem:$0x3FAF]  }
0x29: {  	s4 =	sld [smem:$0x3FB1]  }
0x2a: {  	p0 =	seq.s32 s5, $0x0;
	s5 =	sld [smem:$0x3FB2]  }
0x2b: {  	s6 =	sld [smem:$0x3FB3]  }
0x2c: {  	s7 =	sld [smem:$0x3FB4]  }
0x2d: {  	s3 =	simm.s32 $0x108;
	s8 =	sld [smem:$0x3FB5]  }
0x2e: {  	s3 =	simm.s32 @!p0 $0x1082;
	s9 =	sld [smem:$0x3FB6]  }
0x2f: {  	lr =	sadd.s32 s0, s3;
	s0 =	sld [smem:$0x3FAD]  }
0x30: {  	s3 =	sld [smem:$0x3FB0]  }
0x31: {  	[smem:$0x3FB9] =	sst s10  }
0x32: {  	s10 =	sld [smem:$0x3FB7];
	_ =	sdelay $0x3  }
0x33: {  	p0 =	seq.s32 s10, $0x1;
	s10 =	sld [smem:$0x3FB9];
	_ =	sdelay $0x3  }
0x34: {  	[smem:$0x3FB9] =	sst s10  }
0x35: {  	s10 =	sld [smem:$0x3FB8];
	_ =	sdelay $0x3  }
0x36: {  	p1 =	seq.s32 s10, $0x1;
	s10 =	sld [smem:$0x3FB9];
	_ =	sdelay $0x3  }
0x37: {  	[smem:$0x3FB9] =	sst s10  }
0x38: {  	s10 =	sld [smem:$0x3FBA]  }
0x39: {  	_ = 	snop;
	(pc) =	sbr.ind lr, $3  }
0x3a: {  	_ = 	snop  }
0x3b: {  	_ = 	snop  }
0x3c: {  	p2 =	seq.s32 s10, $0x1;
	s10 =	sld [smem:$0x3FB9]  }
0x3d: {  	_ =	shalt  }
0x3e: {  	_ =	shalt  }
0x3f: {  	_ =	shalt  }
0x40: {  	_ =	shalt  }
0x41: {  	_ =	shalt  }
0x42: {  	_ =	shalt  }
0x43: {  	_ =	shalt  }
0x44: {  	_ =	shalt  }
0x45: {  	_ =	shalt  }
0x46: {  	_ =	shalt  }
0x47: {  	_ =	shalt  }
0x48: {  	_ =	shalt  }
0x49: {  	_ =	shalt  }
0x4a: {  	_ =	shalt  }
0x4b: {  	_ =	shalt  }
0x4c: {  	_ =	shalt  }
0x4d: {  	_ =	shalt  }
0x4e: {  	_ =	shalt  }
0x4f: {  	_ =	shalt  }
0x50: {  	_ =	shalt  }
0x51: {  	_ =	shalt  }
0x52: {  	_ =	shalt  }
0x53: {  	_ =	shalt  }
0x54: {  	_ =	shalt  }
0x55: {  	_ =	shalt  }
0x56: {  	_ =	shalt  }
0x57: {  	_ =	shalt  }
0x58: {  	_ =	shalt  }
0x59: {  	_ =	shalt  }
0x5a: {  	_ =	shalt  }
0x5b: {  	_ =	shalt  }
0x5c: {  	_ =	shalt  }
0x5d: {  	_ =	shalt  }
0x5e: {  	_ =	shalt  }
0x5f: {  	_ =	shalt  }
0x60: {  	_ =	shalt  }
0x61: {  	_ =	shalt  }
0x62: {  	_ =	shalt  }
0x63: {  	_ =	shalt  }
0x64: {  	_ =	shalt  }
0x65: {  	_ =	shalt  }
0x66: {  	_ =	shalt  }
0x67: {  	_ =	shalt  }
0x68: {  	_ =	shalt  }
0x69: {  	_ =	shalt  }
0x6a: {  	_ =	shalt  }
0x6b: {  	_ =	shalt  }
0x6c: {  	_ =	shalt  }
0x6d: {  	_ =	shalt  }
0x6e: {  	_ =	shalt  }
0x6f: {  	_ =	shalt  }
0x70: {  	_ =	shalt  }
0x71: {  	_ =	shalt  }
0x72: {  	_ =	shalt  }
0x73: {  	_ =	shalt  }
0x74: {  	_ =	shalt  }
0x75: {  	_ =	shalt  }
0x76: {  	_ =	shalt  }
0x77: {  	_ =	shalt  }
0x78: {  	_ =	shalt  }
0x79: {  	_ =	shalt  }
0x7a: {  	_ =	shalt  }
0x7b: {  	_ =	shalt  }
0x7c: {  	_ =	shalt  }
0x7d: {  	_ =	shalt  }
0x7e: {  	_ =	shalt  }
0x7f: {  	_ =	shalt  }
0x80: {  	_ =	shalt  }
0x81: {  	_ =	shalt  }
0x82: {  	_ =	shalt  }
0x83: {  	_ =	shalt  }
0x84: {  	_ =	shalt  }
0x85: {  	_ =	shalt  }
0x86: {  	_ =	shalt  }
0x87: {  	_ =	shalt  }
.Lfunc_end0:
.L_simem_size_0:
called_computation_lowered:
.L_overlay_start_0:
0x88: {  	s2 =	sld [smem:$0x3FD9]  }
0x89: {  	s3 =	sld [smem:$0x3FFE];
	_ =	sdelay $0x1  }
0x8a: {  	s1 =	srdreg.scid  }
0x8b: {  	s0 =	sand.u32 $0x1, s1  }
0x8c: {  	s14 =	sshll.u32 s0, $0xA;
	s2 =	sadd.s32 s3, s2  }
0x8d: {  	s2 =	sadd.s32 s2, s14  }
0x8e: {  	[smem:$0x3FC5] =	sst s2  }
0x8f: {  	_ = 	snop  }
0x90: {  	s2 =	sld [smem:$0x3FD0];
	_ =	sdelay $0x2  }
0x91: {  	s15 =	simm.s32 $0xA;
	s4 =	simm.s32 $0x10  }
0x92: {  	[smem:s4], [sflag:s15] =	dma.local [hbm:s2], $0x1  }
0x93: {  	_ =	swait.eq [sflag:s15], $0x1  }
0x94: {  	[sflag:s15] =	ssyncset.done $0x0  }
0x95: {  	[sflag:s15] =	ssyncadd.s32 $0xFFFFFFFF  }
0x96: {  	s16 =	sld [smem:$0x10];
	(tm) =	ssettm $0x1  }
0x97: {  	s17 =	sld [smem:$0x3FFB];
	_ =	sdelay $0x3  }
0x98: {  	_ =	strace s17  }
0x99: {  	s3 =	sld [smem:$0x3FFC];
	_ =	sdelay $0x3  }
0x9a: {  	_ =	strace s3  }
0x9b: {  	s3 =	sld [smem:$0x3FFD];
	_ =	sdelay $0x3  }
0x9c: {  	_ =	strace s3  }
0x9d: {  	_ =	strace $0x8FFFFFFF  }
0x9e: {  	s18 =	sld [smem:$0x3FDB];
	_ =	sdelay $0x1  }
0x9f: {  	s19 =	simm.s32 $_scs_section_size  }
0xa0: {  	s5 =	simm.s32 $_size__tile_overlayer_lowered;
	s6 =	simm.s32 $_tile_overlayer_lowered  }
0xa1: {  	s22 =	simm.s32 $0x1BFF;
	s21 =	sshll.u32 s6, $0x1;
	s3 =	sadd.s32 s19, s18  }
0xa2: {  	s7 =	simm.s32 $0x0;
	s20 =	sshll.u32 s5, $0x1;
	s5 =	sadd.s32 s21, s3  }
0xa3: {  	[timem:s7], [sflag:s22] =	dma.local [hbm:s5], s20  }
0xa4: {  	_ =	swait.ge [sflag:s22], s20  }
0xa5: {  	s4 =	ssub.s32 $0x0, s20;
	[sflag:s22] =	ssyncset.done $0x0  }
0xa6: {  	[sflag:s22] =	ssyncadd.s32 s4;
	_ =	sdelay $0x1  }
0xa7: {  	s23 =	simm.s32 $0x1B8B  }
0xa8: {  	_ =	swait.ge [sflag:s23], $0x1  }
0xa9: {  	[sflag:s23] =	ssyncset.done $0x0  }
0xaa: {  	s25 =	simm.s32 $0x1B8E;
	s24 =	sld [smem:$0x3FFE];
	[sflag:s23] =	ssyncadd.s32 $0xFFFFFFFF  }
0xab: {  	s26 =	simm.s32 $execute0_lowered;
	[smem:$0x3FD2] =	sst s25  }
0xac: {  	s5 =	sshll.u32 s26, $0x1;
	_ =	strace $0x80000046;
	[dreg:$0x1] =	wrdreg $0xFFFFFFFF  }
0xad: {  	s28 =	simm.s32 $_size_execute0_lowered;
	s3 =	sadd.s32 s3, s5;
	[dreg:$0x0] =	wrdreg $0x0  }
0xae: {  	s5 =	sshll.u32 s28, $0x1;
	[dreg:$0x2] =	wrdreg s3  }
0xaf: {  	[dreg:$0x3] =	wrdreg s5  }
0xb0: {  	[dreg:$0x4] =	wrdreg $0xC0  }
0xb1: {  	_ =	task [dreg:s7], $0x5FFFF  }
0xb2: {  	[dreg:$0x1] =	wrdreg $0xFFFFFFFF  }
0xb3: {  	[dreg:$0x0] =	wrdreg $0x60  }
0xb4: {  	[dreg:$0x2] =	wrdreg s24  }
0xb5: {  	[dreg:$0x3] =	wrdreg s16  }
0xb6: {  	[dreg:$0x4] =	wrdreg $0x9  }
0xb7: {  	_ =	task.clear_ibuf [dreg:s7], $0x5FFFF;
	_ =	strace $0x90000046  }
0xb8: {  	s29 =	simm.s32 $0x9;
	_ =	strace $0x80000048  }
0xb9: {  	_ =	swait.ge [sflag:s29], $0x1  }
0xba: {  	[sflag:s29] =	ssyncadd.s32 $0xFFFFFFFF  }
0xbb: {  	_ =	strace $0x90000048  }
0xbc: {  	_ =	sfence  }
0xbd: {  	s30 =	sld [smem:$0x0];
	_ =	sdelay $0x2  }
0xbe: {  	s31 =	sshll.u32 s1, $0xD;
	s1 =	sshrl.u32 s1, $0x2  }
0xbf: {  	s3 =	sand.u32 $0x4000, s31;
	s1 =	sadd.s32 s1, s30  }
0xc0: {  	s0 =	sor.u32 s3, s0;
	s1 =	sshll.u32 s1, $0x11  }
0xc1: {  	s0 =	sor.u32 s1, s0  }
0xc2: {  	s0 =	sadd.s32 $0x8F2B, s0  }
0xc3: {  	[sflag:s0] =	ssyncadd.remote.s32 $0x1  }
0xc4: {  	_ =	sfence.sel $0xFFFF  }
0xc5: {  	[dreg:$0x0] =	wrdreg $0xFFFFFFFF;
	(pc) =	sbr.abs _section_cstart, $3  }
0xc6: {  	[dreg:$0x1] =	wrdreg $0xFFFFFFFF  }
0xc7: {  	_ =	task.clear_ibuf [dreg:s7], $0x2FFFF;
	_ =	strace $0x9FFFFFFF  }
0xc8: {  	(tm) =	ssettm $0x7FFFFFFF  }
0xc9: {  	_ =	shalt  }
tec
execute0_lowered:
.L_overlay_start_1:
0x0: {  	(tag) =	ssettag $0x1  }
0x1: {  	s1 =	srdreg.scid  }
0x2: {  	s0 =	stileid.u32;
	s16 =	sand.u32 $0x1, s1  }
0x3: {  	s5 =	rddreg [dreg:$0x0];
	s31 =	sshll.u32 s0, $0xB;
	s2 =	sshll.u32 s16, $0xA  }
0x4: {  	s10 =	rddreg [dreg:$0x1];
	s11 =	sor.u32 s2, s31  }
0x5: {  	s1 =	rddreg [dreg:$0x2];
	s2 =	simm.s32 $0x0;
	s3 =	sshrl.u32 s11, $0x3  }
0x6: {  	[smem:$0x7FF] =	sst s2;
	s3 =	sadd.s32 s3, s5  }
0x7: {  	_ =	strace $0x80000047;
	s4 =	sadd.s32 $0x4400, s3;
	s3 =	simm.s32 $0x3  }
0x8: {  	[tilespmem:s2], [sflag:$0x3] =	stream.linear.gather [hbm4b:s4+s2], $0x400, $0x38;
	[tilespmem:$0x10400] =	vst v63  }
0x9: {  	_ =	swait.ge [sflag:s3], $0x400  }
0xa: {  	s6 =	simm.s32 $0x100;
	[sflag:s3] =	ssyncset.done $0x0  }
0xb: {  	s7 =	simm.s32 $0x400;
	s5 =	sadd.s32 $0x400, s5;
	[sflag:s3] =	ssyncadd.s32 $0xFFFFFC00  }
0xc: {  	[tilespmem:s7], [sflag:$0x1] =	stream.indirect.gather [hbm4b:s5+s6], $0x80, s2, s6, $0xb8;
	[tilespmem:$0x10400] =	vst v63  }
0xd: {  	s8 =	simm.s32 $0x8400;
	s9 =	simm.s32 $0x1  }
0xe: {  	[tilespmem:s8], [sflag:$0x2] =	stream.indirect.gather [hbm4b:s5+s6], $0x80, s6, s6, $0xb8;
	[tilespmem:$0x10400] =	vst v63  }
0xf: {  	_ =	swait.ge [sflag:s9], $0x8000  }
0x10: {  	s11 =	sshll.u32 s11, $0x4;
	[sflag:s9] =	ssyncset.done $0x0  }
0x11: {  	s10 =	sadd.s32 s10, s11;
	[sflag:s9] =	ssyncadd.s32 $0xFFFF8000  }
0x12: {  	[hbm4b:s10+s2] =	stream.linear.scatter [tilespmem:s7], [sflag:$0x3], $0x8000, $0x38;
	[tilespmem:$0x10400] =	vst v63  }
0x13: {  	_ =	swait.ge [sflag:s3], $0x8000  }
0x14: {  	[sflag:s3] =	ssyncset.done $0x0  }
0x15: {  	s12 =	simm.s32 $0x2;
	s11 =	simm.s32 $0x200;
	[sflag:s3] =	ssyncadd.s32 $0xFFFF8000  }
0x16: {  	[tilespmem:s7], [sflag:$0x1] =	stream.indirect.gather [hbm4b:s5+s6], $0x80, s11, s6, $0xb8;
	[tilespmem:$0x10400] =	vst v63  }
0x17: {  	_ =	swait.ge [sflag:s12], $0x8000  }
0x18: {  	[sflag:s12] =	ssyncset.done $0x0  }
0x19: {  	s13 =	sadd.s32 $0x1000, s10;
	[sflag:s12] =	ssyncadd.s32 $0xFFFF8000  }
0x1a: {  	[hbm4b:s13+s2] =	stream.linear.scatter [tilespmem:s8], [sflag:$0x3], $0x8000, $0x38;
	[tilespmem:$0x10400] =	vst v63  }
0x1b: {  	_ =	swait.ge [sflag:s3], $0x8000  }
0x1c: {  	[sflag:s3] =	ssyncset.done $0x0  }
0x1d: {  	s14 =	simm.s32 $0x300;
	[sflag:s3] =	ssyncadd.s32 $0xFFFF8000  }
0x1e: {  	[tilespmem:s8], [sflag:$0x2] =	stream.indirect.gather [hbm4b:s5+s6], $0x80, s14, s6, $0xb8;
	[tilespmem:$0x10400] =	vst v63  }
0x1f: {  	_ =	swait.ge [sflag:s9], $0x8000  }
0x20: {  	[sflag:s9] =	ssyncset.done $0x0  }
0x21: {  	s16 =	ssub.s32 $0x2, s16;
	s15 =	sadd.s32 $0x2000, s10;
	[sflag:s9] =	ssyncadd.s32 $0xFFFF8000  }
0x22: {  	[hbm4b:s15+s2] =	stream.linear.scatter [tilespmem:s7], [sflag:$0x3], $0x8000, $0x38;
	[tilespmem:$0x10400] =	vst v63  }
0x23: {  	s17 =	sshrl.u32 s16, $0x1;
	_ =	swait.ge [sflag:s3], $0x8000  }
0x24: {  	s17 =	ssub.s32 s16, s17;
	[sflag:s3] =	ssyncset.done $0x0  }
0x25: {  	s17 =	smax.u32 s17, $0x1;
	[sflag:s3] =	ssyncadd.s32 $0xFFFF8000  }
0x26: {  	p0 =	sne.s32 s17, $0x1;
	_ =	swait.ge [sflag:s12], $0x8000  }
.Ltmp0:
0x27: {  	[sflag:s12] =	ssyncset.done $0x0;
	(pc) =	sbr.rel @!p0 .LBB2_2-.Ltmp0, $4  }
0x28: {  	s16 =	sadd.s32 $0x3000, s10;
	[sflag:s12] =	ssyncadd.s32 $0xFFFF8000  }
0x29: {  	[hbm4b:s16+s2] =	stream.linear.scatter [tilespmem:s8], [sflag:$0x3], $0x8000, $0x38;
	[tilespmem:$0x10400] =	vst v63  }
0x2a: {  	_ =	swait.ge [sflag:s3], $0x8000  }
0x2b: {  	s17 =	sadd.s32 $0xFFFFFFFF, s17;
	[sflag:s3] =	ssyncset.done $0x0  }
.LBB2_1:
0x2c: {  	p0 =	sne.s32 s17, $0x1;
	s17 =	sadd.s32 $0xFFFFFFFF, s17;
	[sflag:s3] =	ssyncadd.s32 $0xFFFF8000  }
0x2d: {  	[tilespmem:s2], [sflag:$0x3] =	stream.linear.gather [hbm4b:s4+s2], $0x400, $0x38;
	[tilespmem:$0x10400] =	vst v63  }
0x2e: {  	_ =	swait.ge [sflag:s3], $0x400  }
0x2f: {  	[sflag:s3] =	ssyncset.done $0x0  }
0x30: {  	[sflag:s3] =	ssyncadd.s32 $0xFFFFFC00  }
0x31: {  	[tilespmem:s7], [sflag:$0x1] =	stream.indirect.gather [hbm4b:s5+s6], $0x80, s2, s6, $0xb8;
	[tilespmem:$0x10400] =	vst v63  }
0x32: {  	_ = 	snop  }
0x33: {  	[tilespmem:s8], [sflag:$0x2] =	stream.indirect.gather [hbm4b:s5+s6], $0x80, s6, s6, $0xb8;
	[tilespmem:$0x10400] =	vst v63  }
0x34: {  	_ =	swait.ge [sflag:s9], $0x8000  }
0x35: {  	[sflag:s9] =	ssyncset.done $0x0  }
0x36: {  	[sflag:s9] =	ssyncadd.s32 $0xFFFF8000  }
0x37: {  	[hbm4b:s10+s2] =	stream.linear.scatter [tilespmem:s7], [sflag:$0x3], $0x8000, $0x38;
	[tilespmem:$0x10400] =	vst v63  }
0x38: {  	_ =	swait.ge [sflag:s3], $0x8000  }
0x39: {  	[sflag:s3] =	ssyncset.done $0x0  }
0x3a: {  	[sflag:s3] =	ssyncadd.s32 $0xFFFF8000  }
0x3b: {  	[tilespmem:s7], [sflag:$0x1] =	stream.indirect.gather [hbm4b:s5+s6], $0x80, s11, s6, $0xb8;
	[tilespmem:$0x10400] =	vst v63  }
0x3c: {  	_ =	swait.ge [sflag:s12], $0x8000  }
0x3d: {  	[sflag:s12] =	ssyncset.done $0x0  }
0x3e: {  	[sflag:s12] =	ssyncadd.s32 $0xFFFF8000  }
0x3f: {  	[hbm4b:s13+s2] =	stream.linear.scatter [tilespmem:s8], [sflag:$0x3], $0x8000, $0x38;
	[tilespmem:$0x10400] =	vst v63  }
0x40: {  	_ =	swait.ge [sflag:s3], $0x8000  }
0x41: {  	[sflag:s3] =	ssyncset.done $0x0  }
0x42: {  	[sflag:s3] =	ssyncadd.s32 $0xFFFF8000  }
0x43: {  	[tilespmem:s8], [sflag:$0x2] =	stream.indirect.gather [hbm4b:s5+s6], $0x80, s14, s6, $0xb8;
	[tilespmem:$0x10400] =	vst v63  }
0x44: {  	_ =	swait.ge [sflag:s9], $0x8000  }
0x45: {  	[sflag:s9] =	ssyncset.done $0x0  }
0x46: {  	[sflag:s9] =	ssyncadd.s32 $0xFFFF8000  }
0x47: {  	[hbm4b:s15+s2] =	stream.linear.scatter [tilespmem:s7], [sflag:$0x3], $0x8000, $0x38;
	[tilespmem:$0x10400] =	vst v63  }
0x48: {  	_ =	swait.ge [sflag:s3], $0x8000  }
0x49: {  	[sflag:s3] =	ssyncset.done $0x0  }
0x4a: {  	[sflag:s3] =	ssyncadd.s32 $0xFFFF8000  }
0x4b: {  	_ =	swait.ge [sflag:s12], $0x8000  }
.Ltmp1:
0x4c: {  	[sflag:s12] =	ssyncset.done $0x0;
	(pc) =	sbr.rel @p0 .LBB2_1-.Ltmp1, $4  }
0x4d: {  	[sflag:s12] =	ssyncadd.s32 $0xFFFF8000  }
0x4e: {  	[hbm4b:s16+s2] =	stream.linear.scatter [tilespmem:s8], [sflag:$0x3], $0x8000, $0x38;
	[tilespmem:$0x10400] =	vst v63  }
0x4f: {  	_ =	swait.ge [sflag:s3], $0x8000  }
0x50: {  	[sflag:s3] =	ssyncset.done $0x0  }
.LBB2_2:
0x51: {  	[sflag:s3] =	ssyncadd.s32 $0xFFFF8000  }
0x52: {  	_ =	sfence.sel $0x180000  }
0x53: {  	[bflag:$0x0] =	sbarrier.arrive $0xFFFF  }
0x54: {  	p0 =	sne.s32 s0, $0x0;
	_ =	strace $0x90000047  }
0x55: {  	s0 =	sadd.s32 @!p0 $0x100000, s1;
	[bflag:$0x2] =	sbarrier.arrive $0xFFFF  }
0x56: {  	[sflag:s0] =	ssyncadd.tile.s32 @!p0 $0x1;
	_ =	shalt  }
.Lfunc_end2:
_tile_overlayer_lowered:
.L_overlay_start_2:
0x57: {  	(tag) =	ssettag $0x2  }
0x58: {  	s0 =	rddreg [dreg:$0x0];
	s2 =	stileid.u32  }
0x59: {  	s1 =	rddreg [dreg:$0x1];
	p0 =	sne.s32 s2, $0x0  }
0x5a: {  	s3 =	rddreg [dreg:$0x2];
	[bflag:$0x3] =	sbarrier.arrive $0xFFFF;
	s2 =	simm.s32 @!p0 $0x1C03  }
0x5b: {  	[timem:s3], [sflag:s2] =	dma.local @!p0 [hbm:s0], s1  }
0x5c: {  	s0 =	simm.s32 @!p0 $0x3  }
0x5d: {  	_ =	swait.ge @!p0 [sflag:s0], s1  }
0x5e: {  	s1 =	ssub.s32 @!p0 $0x0, s1;
	[sflag:s0] =	ssyncset.done @!p0 $0x0  }
0x5f: {  	[sflag:s0] =	ssyncadd.s32 @!p0 s1  }
0x60: {  	[bflag:$0x3] =	sbarrier.arrive $0xFFFF  }
0x61: {  	_ =	shalt  }

</sc_bundles>
